<compile_context>
chip_gen: v7x
topology: tpu7x:2x2x1
jax: 0.10.2.dev20260603
libtpu: 0.0.44.dev20260713+nightly
codegen_flags: <defaults>
</compile_context>

<pallas_src>
import functools
import numpy as np
import jax
import jax.numpy as jnp
from jax import lax
from jax.experimental import pallas as pl
from jax.experimental.pallas import tpu as pltpu
from jax.experimental.pallas import tpu_sc as plsc

_B = 4096
_C = 1000
_RB = 512
_NBLK = _B // _RB
_GR = _B // 128

_NW = 32
_BPW = _B // _NW

_FORGET = 0.2
_GRADUAL = 10
_EPOCHS = 100


def _forget_schedule():
    rs = np.ones(_EPOCHS) * _FORGET
    rs[:_GRADUAL] = np.linspace(0, _FORGET, _GRADUAL)
    return rs



def _sc_gather_body(f1_hbm, f2_hbm, tgt_hbm, out_hbm,
                    tgt_v, idx_v, g1_v, g2_v, sem):
    w = lax.axis_index("s") * 2 + lax.axis_index("c")
    base = w * _BPW
    pltpu.sync_copy(tgt_hbm.at[pl.ds(base, _BPW)], tgt_v)
    for u in range(_BPW // 16):
        lane = lax.iota(jnp.int32, 16)
        idx_v[pl.ds(u * 16, 16)] = (tgt_v[pl.ds(u * 16, 16)]
                                    + (lane + base + u * 16) * _C)
    pltpu.async_copy(f1_hbm.at[idx_v], g1_v, sem).wait()
    pltpu.async_copy(f2_hbm.at[idx_v], g2_v, sem).wait()
    pltpu.sync_copy(g1_v, out_hbm.at[0, w])
    pltpu.sync_copy(g2_v, out_hbm.at[1, w])


def _sc_gather(flat1, flat2, targets):
    return pl.kernel(
        _sc_gather_body,
        out_type=jax.ShapeDtypeStruct((2, _GR, 128), jnp.float32),
        mesh=plsc.VectorSubcoreMesh(core_axis_name="c", subcore_axis_name="s"),
        scratch_types=[
            pltpu.VMEM((_BPW,), jnp.int32),
            pltpu.VMEM((_BPW,), jnp.int32),
            pltpu.VMEM((_BPW,), jnp.float32),
            pltpu.VMEM((_BPW,), jnp.float32),
            pltpu.SemaphoreType.DMA,
        ],
    )(flat1, flat2, targets)



def _lse_block(x):
    m = jnp.max(x, axis=1, keepdims=True)
    m = jnp.where(jnp.isfinite(m), m, 0.0)
    return jnp.log(jnp.sum(jnp.exp(x - m), axis=1, keepdims=True)) + m


def _order_key(x):
    u = lax.bitcast_convert_type(x, jnp.uint32)
    neg = u >= jnp.uint32(0x80000000)
    return jnp.where(neg, ~u, u | jnp.uint32(0x80000000))


def _kth_threshold(u, idx, k):

    def vstep(_, lohi):
        lo, hi = lohi
        mid = lo + ((hi - lo) >> jnp.uint32(1))
        cnt = jnp.sum((u <= mid).astype(jnp.int32))
        return (jnp.where(cnt >= k, lo, mid + jnp.uint32(1)),
                jnp.where(cnt >= k, mid, hi))

    _, v = lax.fori_loop(0, 32, vstep,
                         (jnp.uint32(0), jnp.uint32(0xFFFFFFFF)))
    n_less = jnp.sum((u < v).astype(jnp.int32))
    eq = u == v

    def tstep(_, lohi):
        lo, hi = lohi
        mid = lo + ((hi - lo) >> jnp.int32(1))
        cnt = n_less + jnp.sum((eq & (idx < mid)).astype(jnp.int32))
        return (jnp.where(cnt >= k, lo, mid + 1),
                jnp.where(cnt >= k, mid, hi))

    _, t = lax.fori_loop(0, 13, tstep, (jnp.int32(0), jnp.int32(_B)))
    return v, t


def _tc_body(x1_ref, x2_ref, tv_ref, k_ref, o1_ref, o2_ref, l1_s, l2_s):
    g = pl.program_id(0)
    gr = _RB // 128
    l1_s[pl.ds(g * gr, gr), :] = _lse_block(x1_ref[...]).reshape(gr, 128)
    l2_s[pl.ds(g * gr, gr), :] = _lse_block(x2_ref[...]).reshape(gr, 128)

    @pl.when(g == _NBLK - 1)
    def _():
        k = k_ref[0]
        l1 = l1_s[...] - tv_ref[0]
        l2 = l2_s[...] - tv_ref[1]
        u1 = _order_key(l1)
        u2 = _order_key(l2)
        idx = (lax.broadcasted_iota(jnp.int32, (_GR, 128), 0) * 128
               + lax.broadcasted_iota(jnp.int32, (_GR, 128), 1))
        v2, t2 = _kth_threshold(u2, idx, k)
        v1, t1 = _kth_threshold(u1, idx, k)
        sel2 = (u2 < v2) | ((u2 == v2) & (idx < t2))
        sel1 = (u1 < v1) | ((u1 == v1) & (idx < t1))
        den = k.astype(jnp.float32)
        o1_ref[0] = jnp.sum(jnp.where(sel2, l1, 0.0)) / den
        o2_ref[0] = jnp.sum(jnp.where(sel1, l2, 0.0)) / den


def kernel(logits_1, logits_2, targets, epoch):
    rs = jnp.asarray(_forget_schedule())
    remember_rate = 1.0 - rs[epoch]
    num_remember = (remember_rate * logits_1.shape[0]).astype(jnp.int32)
    k_arr = num_remember.reshape(1)
    tgt = targets.astype(jnp.int32)
    tv = _sc_gather(logits_1.reshape(-1), logits_2.reshape(-1), tgt)
    out1, out2 = pl.pallas_call(
        _tc_body,
        grid=(_NBLK,),
        in_specs=[
            pl.BlockSpec((_RB, _C), lambda g: (g, 0)),
            pl.BlockSpec((_RB, _C), lambda g: (g, 0)),
            pl.BlockSpec((2, _GR, 128), lambda g: (0, 0, 0)),
            pl.BlockSpec(memory_space=pltpu.SMEM),
        ],
        out_specs=[
            pl.BlockSpec(memory_space=pltpu.SMEM),
            pl.BlockSpec(memory_space=pltpu.SMEM),
        ],
        out_shape=[jax.ShapeDtypeStruct((1,), jnp.float32)] * 2,
        scratch_shapes=[pltpu.VMEM((_GR, 128), jnp.float32)] * 2,
    )(logits_1, logits_2, tv, k_arr)
    return (out1[0], out2[0])

# --- scband reference (transcript-rebuilt; emitter-appended) ---
"""Pipeline reference for scband-coteaching-loss-16226386444801 (READ-ONLY COPY).

The authoritative reference and input builder live on the scoring server;
editing this copy changes nothing except your own understanding.
"""

import jax, jax.numpy as jnp
import numpy as np

FORGET_RATE = 0.2
NUM_GRADUAL = 10
N_EPOCH = 100


def _rate_schedule():
    rs = np.ones(N_EPOCH) * FORGET_RATE
    rs[:NUM_GRADUAL] = np.linspace(0, FORGET_RATE, NUM_GRADUAL)
    return rs


def _ce_per_sample(logits, targets):
    logz = jax.nn.logsumexp(logits, axis=-1)
    tgt = jnp.take_along_axis(logits, targets[:, None], axis=-1)[:, 0]
    return logz - tgt


def setup_inputs(seed: int = 0) -> dict:
    key = jax.random.key(seed)
    k1, k2, k3 = jax.random.split(key, 3)
    B, C = 4096, 1000
    logits_1 = jax.random.normal(k1, (B, C), dtype=jnp.float32)
    logits_2 = jax.random.normal(k2, (B, C), dtype=jnp.float32)
    targets = jax.random.randint(k3, (B,), 0, C)
    return {"logits_1": logits_1, "logits_2": logits_2, "targets": targets, "epoch": 50}


def reference(logits_1, logits_2, targets, epoch):
    rs = jnp.asarray(_rate_schedule())
    loss_1 = _ce_per_sample(logits_1, targets)
    ind_1_sorted = jnp.argsort(loss_1)
    loss_2 = _ce_per_sample(logits_2, targets)
    ind_2_sorted = jnp.argsort(loss_2)
    remember_rate = 1.0 - rs[epoch]
    num_remember = (remember_rate * loss_1.shape[0]).astype(int)
    mask = jnp.arange(loss_1.shape[0]) < num_remember
    ce_1_full = _ce_per_sample(logits_1[ind_2_sorted], targets[ind_2_sorted])
    ce_2_full = _ce_per_sample(logits_2[ind_1_sorted], targets[ind_1_sorted])
    denom = num_remember.astype(ce_1_full.dtype)
    loss_1_update = jnp.sum(jnp.where(mask, ce_1_full, 0.0)) / denom
    loss_2_update = jnp.sum(jnp.where(mask, ce_2_full, 0.0)) / denom
    return (loss_1_update, loss_2_update)

if __name__ == "__main__":
    import jax
    _d = setup_inputs()
    print(jax.jit(kernel)(*tuple(_d.values())))

</pallas_src>

<mosaic_0001>
#map = affine_map<(d0, d1) -> (0)>
#map1 = affine_map<(d0, d1) -> (0, 0, 0)>
module attributes {stable_mosaic.version = 14 : i64} {
  func.func @_sc_gather_body(%arg0: i32, %arg1: i32, %arg2: memref<4096000xf32, #tpu.memory_space<hbm>>, %arg3: memref<4096000xf32, #tpu.memory_space<hbm>>, %arg4: memref<4096xi32, #tpu.memory_space<hbm>>, %arg5: memref<2x32x128xf32, #tpu.memory_space<hbm>>, %arg6: memref<128xi32, #tpu.memory_space<vmem>>, %arg7: memref<128xi32, #tpu.memory_space<vmem>>, %arg8: memref<128xf32, #tpu.memory_space<vmem>>, %arg9: memref<128xf32, #tpu.memory_space<vmem>>, %arg10: memref<!tpu.dma_semaphore, #tpu.memory_space<semaphore_mem>>) attributes {dimension_semantics = [#tpu.dimension_semantics<core_parallel>, #tpu.dimension_semantics<subcore_parallel>], iteration_bounds = array<i64: 2, 16>, scalar_prefetch = 0 : i64, scratch_operands = 5 : i64, tpu.core_type = #tpu.core_type<sc_vector_subcore>, window_params = [{transform_indices = #map}, {transform_indices = #map}, {transform_indices = #map}, {transform_indices = #map1}]} {
    %mul3A = arith.constant 2 : i32
    %mul3A_0 = arith.muli %arg1, %mul3A : i32
    %add3A = arith.addi %mul3A_0, %arg0 : i32
    %mul3A_1 = arith.constant 128 : i32
    %mul3A_2 = arith.muli %add3A, %mul3A_1 : i32
    "tpu.region"() ({
      %run_scoped3A_143 = tpu.sem_alloc : memref<!tpu.dma_semaphore, #tpu.memory_space<semaphore_mem>>
      %dma_start3A_144 = tpu.memref_slice %arg4[%mul3A_2] : memref<4096xi32, #tpu.memory_space<hbm>> -> memref<128xi32, #tpu.memory_space<hbm>>
      %dma_start3A_145 = tpu.memref_slice %arg4[%mul3A_2] : memref<4096xi32, #tpu.memory_space<hbm>> -> memref<128xi32, #tpu.memory_space<hbm>>
      tpu.enqueue_dma source(%dma_start3A_145 : memref<128xi32, #tpu.memory_space<hbm>>) target(%arg6 : memref<128xi32, #tpu.memory_space<vmem>>) target_semaphore(%run_scoped3A_143 : memref<!tpu.dma_semaphore, #tpu.memory_space<semaphore_mem>>)
      %dma_wait3A_146 = tpu.memref_slice %arg4[%mul3A_2] : memref<4096xi32, #tpu.memory_space<hbm>> -> memref<128xi32, #tpu.memory_space<hbm>>
      %dma_wait3A_147 = tpu.memref_slice %arg4[%mul3A_2] : memref<4096xi32, #tpu.memory_space<hbm>> -> memref<128xi32, #tpu.memory_space<hbm>>
      tpu.wait_dma2 semaphore(%run_scoped3A_143 : memref<!tpu.dma_semaphore, #tpu.memory_space<semaphore_mem>>) src(%dma_wait3A_147 : memref<128xi32, #tpu.memory_space<hbm>>) dst(%arg6 : memref<128xi32, #tpu.memory_space<vmem>>)
      tpu.yield
    }) : () -> ()
    %iota3A = tpu.iota {dimensions = array<i32: 0>} : vector<16xi32>
    %get3A = arith.constant 0 : index
    %get3A_3 = tpu.vector_load %arg6[%get3A] {strides = array<i32>} : memref<128xi32, #tpu.memory_space<vmem>>, vector<16xi32>,
    %get3A_4 = vector.shape_cast %get3A_3 : vector<16xi32> to vector<16xi32>
    %add3A_5 = vector.broadcast %mul3A_2 : i32 to vector<16xi32>
    %add3A_6 = arith.addi %iota3A, %add3A_5 : vector<16xi32>
    %add3A_7 = arith.constant 0 : i32
    %add3A_8 = vector.broadcast %add3A_7 : i32 to vector<16xi32>
    %add3A_9 = arith.addi %add3A_6, %add3A_8 : vector<16xi32>
    %mul3A_10 = arith.constant 1000 : i32
    %mul3A_11 = vector.broadcast %mul3A_10 : i32 to vector<16xi32>
    %mul3A_12 = arith.muli %add3A_9, %mul3A_11 : vector<16xi32>
    %add3A_13 = arith.addi %get3A_4, %mul3A_12 : vector<16xi32>
    %swap3A = arith.constant 0 : index
    %swap3A_14 = tpu.vector_load %arg7[%swap3A] {strides = array<i32>} : memref<128xi32, #tpu.memory_space<vmem>>, vector<16xi32>,
    %swap3A_15 = vector.shape_cast %swap3A_14 : vector<16xi32> to vector<16xi32>
    %swap3A_16 = vector.shape_cast %add3A_13 : vector<16xi32> to vector<16xi32>
    tpu.vector_store %arg7[%swap3A], %swap3A_16 {strides = array<i32>} : memref<128xi32, #tpu.memory_space<vmem>>, vector<16xi32>,
    %iota3A_17 = tpu.iota {dimensions = array<i32: 0>} : vector<16xi32>
    %get3A_18 = arith.constant 16 : index
    %get3A_19 = tpu.vector_load %arg6[%get3A_18] {strides = array<i32>} : memref<128xi32, #tpu.memory_space<vmem>>, vector<16xi32>,
    %get3A_20 = vector.shape_cast %get3A_19 : vector<16xi32> to vector<16xi32>
    %add3A_21 = vector.broadcast %mul3A_2 : i32 to vector<16xi32>
    %add3A_22 = arith.addi %iota3A_17, %add3A_21 : vector<16xi32>
    %add3A_23 = arith.constant 16 : i32
    %add3A_24 = vector.broadcast %add3A_23 : i32 to vector<16xi32>
    %add3A_25 = arith.addi %add3A_22, %add3A_24 : vector<16xi32>
    %mul3A_26 = arith.constant 1000 : i32
    %mul3A_27 = vector.broadcast %mul3A_26 : i32 to vector<16xi32>
    %mul3A_28 = arith.muli %add3A_25, %mul3A_27 : vector<16xi32>
    %add3A_29 = arith.addi %get3A_20, %mul3A_28 : vector<16xi32>
    %swap3A_30 = arith.constant 16 : index
    %swap3A_31 = tpu.vector_load %arg7[%swap3A_30] {strides = array<i32>} : memref<128xi32, #tpu.memory_space<vmem>>, vector<16xi32>,
    %swap3A_32 = vector.shape_cast %swap3A_31 : vector<16xi32> to vector<16xi32>
    %swap3A_33 = vector.shape_cast %add3A_29 : vector<16xi32> to vector<16xi32>
    tpu.vector_store %arg7[%swap3A_30], %swap3A_33 {strides = array<i32>} : memref<128xi32, #tpu.memory_space<vmem>>, vector<16xi32>,
    %iota3A_34 = tpu.iota {dimensions = array<i32: 0>} : vector<16xi32>
    %get3A_35 = arith.constant 32 : index
    %get3A_36 = tpu.vector_load %arg6[%get3A_35] {strides = array<i32>} : memref<128xi32, #tpu.memory_space<vmem>>, vector<16xi32>,
    %get3A_37 = vector.shape_cast %get3A_36 : vector<16xi32> to vector<16xi32>
    %add3A_38 = vector.broadcast %mul3A_2 : i32 to vector<16xi32>
    %add3A_39 = arith.addi %iota3A_34, %add3A_38 : vector<16xi32>
    %add3A_40 = arith.constant 32 : i32
    %add3A_41 = vector.broadcast %add3A_40 : i32 to vector<16xi32>
    %add3A_42 = arith.addi %add3A_39, %add3A_41 : vector<16xi32>
    %mul3A_43 = arith.constant 1000 : i32
    %mul3A_44 = vector.broadcast %mul3A_43 : i32 to vector<16xi32>
    %mul3A_45 = arith.muli %add3A_42, %mul3A_44 : vector<16xi32>
    %add3A_46 = arith.addi %get3A_37, %mul3A_45 : vector<16xi32>
    %swap3A_47 = arith.constant 32 : index
    %swap3A_48 = tpu.vector_load %arg7[%swap3A_47] {strides = array<i32>} : memref<128xi32, #tpu.memory_space<vmem>>, vector<16xi32>,
    %swap3A_49 = vector.shape_cast %swap3A_48 : vector<16xi32> to vector<16xi32>
    %swap3A_50 = vector.shape_cast %add3A_46 : vector<16xi32> to vector<16xi32>
    tpu.vector_store %arg7[%swap3A_47], %swap3A_50 {strides = array<i32>} : memref<128xi32, #tpu.memory_space<vmem>>, vector<16xi32>,
    %iota3A_51 = tpu.iota {dimensions = array<i32: 0>} : vector<16xi32>
    %get3A_52 = arith.constant 48 : index
    %get3A_53 = tpu.vector_load %arg6[%get3A_52] {strides = array<i32>} : memref<128xi32, #tpu.memory_space<vmem>>, vector<16xi32>,
    %get3A_54 = vector.shape_cast %get3A_53 : vector<16xi32> to vector<16xi32>
    %add3A_55 = vector.broadcast %mul3A_2 : i32 to vector<16xi32>
    %add3A_56 = arith.addi %iota3A_51, %add3A_55 : vector<16xi32>
    %add3A_57 = arith.constant 48 : i32
    %add3A_58 = vector.broadcast %add3A_57 : i32 to vector<16xi32>
    %add3A_59 = arith.addi %add3A_56, %add3A_58 : vector<16xi32>
    %mul3A_60 = arith.constant 1000 : i32
    %mul3A_61 = vector.broadcast %mul3A_60 : i32 to vector<16xi32>
    %mul3A_62 = arith.muli %add3A_59, %mul3A_61 : vector<16xi32>
    %add3A_63 = arith.addi %get3A_54, %mul3A_62 : vector<16xi32>
    %swap3A_64 = arith.constant 48 : index
    %swap3A_65 = tpu.vector_load %arg7[%swap3A_64] {strides = array<i32>} : memref<128xi32, #tpu.memory_space<vmem>>, vector<16xi32>,
    %swap3A_66 = vector.shape_cast %swap3A_65 : vector<16xi32> to vector<16xi32>
    %swap3A_67 = vector.shape_cast %add3A_63 : vector<16xi32> to vector<16xi32>
    tpu.vector_store %arg7[%swap3A_64], %swap3A_67 {strides = array<i32>} : memref<128xi32, #tpu.memory_space<vmem>>, vector<16xi32>,
    %iota3A_68 = tpu.iota {dimensions = array<i32: 0>} : vector<16xi32>
    %get3A_69 = arith.constant 64 : index
    %get3A_70 = tpu.vector_load %arg6[%get3A_69] {strides = array<i32>} : memref<128xi32, #tpu.memory_space<vmem>>, vector<16xi32>,
    %get3A_71 = vector.shape_cast %get3A_70 : vector<16xi32> to vector<16xi32>
    %add3A_72 = vector.broadcast %mul3A_2 : i32 to vector<16xi32>
    %add3A_73 = arith.addi %iota3A_68, %add3A_72 : vector<16xi32>
    %add3A_74 = arith.constant 64 : i32
    %add3A_75 = vector.broadcast %add3A_74 : i32 to vector<16xi32>
    %add3A_76 = arith.addi %add3A_73, %add3A_75 : vector<16xi32>
    %mul3A_77 = arith.constant 1000 : i32
    %mul3A_78 = vector.broadcast %mul3A_77 : i32 to vector<16xi32>
    %mul3A_79 = arith.muli %add3A_76, %mul3A_78 : vector<16xi32>
    %add3A_80 = arith.addi %get3A_71, %mul3A_79 : vector<16xi32>
    %swap3A_81 = arith.constant 64 : index
    %swap3A_82 = tpu.vector_load %arg7[%swap3A_81] {strides = array<i32>} : memref<128xi32, #tpu.memory_space<vmem>>, vector<16xi32>,
    %swap3A_83 = vector.shape_cast %swap3A_82 : vector<16xi32> to vector<16xi32>
    %swap3A_84 = vector.shape_cast %add3A_80 : vector<16xi32> to vector<16xi32>
    tpu.vector_store %arg7[%swap3A_81], %swap3A_84 {strides = array<i32>} : memref<128xi32, #tpu.memory_space<vmem>>, vector<16xi32>,
    %iota3A_85 = tpu.iota {dimensions = array<i32: 0>} : vector<16xi32>
    %get3A_86 = arith.constant 80 : index
    %get3A_87 = tpu.vector_load %arg6[%get3A_86] {strides = array<i32>} : memref<128xi32, #tpu.memory_space<vmem>>, vector<16xi32>,
    %get3A_88 = vector.shape_cast %get3A_87 : vector<16xi32> to vector<16xi32>
    %add3A_89 = vector.broadcast %mul3A_2 : i32 to vector<16xi32>
    %add3A_90 = arith.addi %iota3A_85, %add3A_89 : vector<16xi32>
    %add3A_91 = arith.constant 80 : i32
    %add3A_92 = vector.broadcast %add3A_91 : i32 to vector<16xi32>
    %add3A_93 = arith.addi %add3A_90, %add3A_92 : vector<16xi32>
    %mul3A_94 = arith.constant 1000 : i32
    %mul3A_95 = vector.broadcast %mul3A_94 : i32 to vector<16xi32>
    %mul3A_96 = arith.muli %add3A_93, %mul3A_95 : vector<16xi32>
    %add3A_97 = arith.addi %get3A_88, %mul3A_96 : vector<16xi32>
    %swap3A_98 = arith.constant 80 : index
    %swap3A_99 = tpu.vector_load %arg7[%swap3A_98] {strides = array<i32>} : memref<128xi32, #tpu.memory_space<vmem>>, vector<16xi32>,
    %swap3A_100 = vector.shape_cast %swap3A_99 : vector<16xi32> to vector<16xi32>
    %swap3A_101 = vector.shape_cast %add3A_97 : vector<16xi32> to vector<16xi32>
    tpu.vector_store %arg7[%swap3A_98], %swap3A_101 {strides = array<i32>} : memref<128xi32, #tpu.memory_space<vmem>>, vector<16xi32>,
    %iota3A_102 = tpu.iota {dimensions = array<i32: 0>} : vector<16xi32>
    %get3A_103 = arith.constant 96 : index
    %get3A_104 = tpu.vector_load %arg6[%get3A_103] {strides = array<i32>} : memref<128xi32, #tpu.memory_space<vmem>>, vector<16xi32>,
    %get3A_105 = vector.shape_cast %get3A_104 : vector<16xi32> to vector<16xi32>
    %add3A_106 = vector.broadcast %mul3A_2 : i32 to vector<16xi32>
    %add3A_107 = arith.addi %iota3A_102, %add3A_106 : vector<16xi32>
    %add3A_108 = arith.constant 96 : i32
    %add3A_109 = vector.broadcast %add3A_108 : i32 to vector<16xi32>
    %add3A_110 = arith.addi %add3A_107, %add3A_109 : vector<16xi32>
    %mul3A_111 = arith.constant 1000 : i32
    %mul3A_112 = vector.broadcast %mul3A_111 : i32 to vector<16xi32>
    %mul3A_113 = arith.muli %add3A_110, %mul3A_112 : vector<16xi32>
    %add3A_114 = arith.addi %get3A_105, %mul3A_113 : vector<16xi32>
    %swap3A_115 = arith.constant 96 : index
    %swap3A_116 = tpu.vector_load %arg7[%swap3A_115] {strides = array<i32>} : memref<128xi32, #tpu.memory_space<vmem>>, vector<16xi32>,
    %swap3A_117 = vector.shape_cast %swap3A_116 : vector<16xi32> to vector<16xi32>
    %swap3A_118 = vector.shape_cast %add3A_114 : vector<16xi32> to vector<16xi32>
    tpu.vector_store %arg7[%swap3A_115], %swap3A_118 {strides = array<i32>} : memref<128xi32, #tpu.memory_space<vmem>>, vector<16xi32>,
    %iota3A_119 = tpu.iota {dimensions = array<i32: 0>} : vector<16xi32>
    %get3A_120 = arith.constant 112 : index
    %get3A_121 = tpu.vector_load %arg6[%get3A_120] {strides = array<i32>} : memref<128xi32, #tpu.memory_space<vmem>>, vector<16xi32>,
    %get3A_122 = vector.shape_cast %get3A_121 : vector<16xi32> to vector<16xi32>
    %add3A_123 = vector.broadcast %mul3A_2 : i32 to vector<16xi32>
    %add3A_124 = arith.addi %iota3A_119, %add3A_123 : vector<16xi32>
    %add3A_125 = arith.constant 112 : i32
    %add3A_126 = vector.broadcast %add3A_125 : i32 to vector<16xi32>
    %add3A_127 = arith.addi %add3A_124, %add3A_126 : vector<16xi32>
    %mul3A_128 = arith.constant 1000 : i32
    %mul3A_129 = vector.broadcast %mul3A_128 : i32 to vector<16xi32>
    %mul3A_130 = arith.muli %add3A_127, %mul3A_129 : vector<16xi32>
    %add3A_131 = arith.addi %get3A_122, %mul3A_130 : vector<16xi32>
    %swap3A_132 = arith.constant 112 : index
    %swap3A_133 = tpu.vector_load %arg7[%swap3A_132] {strides = array<i32>} : memref<128xi32, #tpu.memory_space<vmem>>, vector<16xi32>,
    %swap3A_134 = vector.shape_cast %swap3A_133 : vector<16xi32> to vector<16xi32>
    %swap3A_135 = vector.shape_cast %add3A_131 : vector<16xi32> to vector<16xi32>
    tpu.vector_store %arg7[%swap3A_132], %swap3A_135 {strides = array<i32>} : memref<128xi32, #tpu.memory_space<vmem>>, vector<16xi32>,
    %dma_start3A = arith.constant 0 : i32
    %dma_start3A_136 = tpu.memref_slice %arg2[%dma_start3A] : memref<4096000xf32, #tpu.memory_space<hbm>> -> memref<4096000xf32, #tpu.memory_space<hbm>>
    tpu.enqueue_indirect_dma source(%dma_start3A_136 : memref<4096000xf32, #tpu.memory_space<hbm>>) target(%arg8 : memref<128xf32, #tpu.memory_space<vmem>>) offsets(%arg7 : memref<128xi32, #tpu.memory_space<vmem>>) semaphore(%arg10 : memref<!tpu.dma_semaphore, #tpu.memory_space<semaphore_mem>>)
    %dma_wait3A = arith.constant 0 : i32
    %dma_wait3A_137 = tpu.memref_slice %arg2[%dma_wait3A] : memref<4096000xf32, #tpu.memory_space<hbm>> -> memref<4096000xf32, #tpu.memory_space<hbm>>
    tpu.wait_indirect_dma semaphore(%arg10 : memref<!tpu.dma_semaphore, #tpu.memory_space<semaphore_mem>>) src(%dma_wait3A_137 : memref<4096000xf32, #tpu.memory_space<hbm>>) dst(%arg8 : memref<128xf32, #tpu.memory_space<vmem>>)
    %dma_start3A_138 = arith.constant 0 : i32
    %dma_start3A_139 = tpu.memref_slice %arg3[%dma_start3A_138] : memref<4096000xf32, #tpu.memory_space<hbm>> -> memref<4096000xf32, #tpu.memory_space<hbm>>
    tpu.enqueue_indirect_dma source(%dma_start3A_139 : memref<4096000xf32, #tpu.memory_space<hbm>>) target(%arg9 : memref<128xf32, #tpu.memory_space<vmem>>) offsets(%arg7 : memref<128xi32, #tpu.memory_space<vmem>>) semaphore(%arg10 : memref<!tpu.dma_semaphore, #tpu.memory_space<semaphore_mem>>)
    %dma_wait3A_140 = arith.constant 0 : i32
    %dma_wait3A_141 = tpu.memref_slice %arg3[%dma_wait3A_140] : memref<4096000xf32, #tpu.memory_space<hbm>> -> memref<4096000xf32, #tpu.memory_space<hbm>>
    tpu.wait_indirect_dma semaphore(%arg10 : memref<!tpu.dma_semaphore, #tpu.memory_space<semaphore_mem>>) src(%dma_wait3A_141 : memref<4096000xf32, #tpu.memory_space<hbm>>) dst(%arg9 : memref<128xf32, #tpu.memory_space<vmem>>)
    %run_scoped3A = arith.constant 0 : i32
    "tpu.region"() ({
      %run_scoped3A_143 = tpu.sem_alloc : memref<!tpu.dma_semaphore, #tpu.memory_space<semaphore_mem>>
      %dma_start3A_144 = arith.constant 0 : i32
      %dma_start3A_145 = tpu.memref_slice %arg5[%run_scoped3A, %add3A, %dma_start3A_144] : memref<2x32x128xf32, #tpu.memory_space<hbm>> -> memref<1x1x128xf32, #tpu.memory_space<hbm>>
      %dma_start3A_146 = tpu.memref_squeeze %dma_start3A_145 : memref<1x1x128xf32, #tpu.memory_space<hbm>> -> memref<128xf32, #tpu.memory_space<hbm>>
      %dma_start3A_147 = arith.constant 0 : i32
      %dma_start3A_148 = tpu.memref_slice %arg5[%run_scoped3A, %add3A, %dma_start3A_147] : memref<2x32x128xf32, #tpu.memory_space<hbm>> -> memref<1x1x128xf32, #tpu.memory_space<hbm>>
      %dma_start3A_149 = tpu.memref_squeeze %dma_start3A_148 : memref<1x1x128xf32, #tpu.memory_space<hbm>> -> memref<128xf32, #tpu.memory_space<hbm>>
      tpu.enqueue_dma source(%arg8 : memref<128xf32, #tpu.memory_space<vmem>>) target(%dma_start3A_149 : memref<128xf32, #tpu.memory_space<hbm>>) target_semaphore(%run_scoped3A_143 : memref<!tpu.dma_semaphore, #tpu.memory_space<semaphore_mem>>)
      %dma_wait3A_150 = arith.constant 0 : i32
      %dma_wait3A_151 = tpu.memref_slice %arg5[%run_scoped3A, %add3A, %dma_wait3A_150] : memref<2x32x128xf32, #tpu.memory_space<hbm>> -> memref<1x1x128xf32, #tpu.memory_space<hbm>>
      %dma_wait3A_152 = tpu.memref_squeeze %dma_wait3A_151 : memref<1x1x128xf32, #tpu.memory_space<hbm>> -> memref<128xf32, #tpu.memory_space<hbm>>
      %dma_wait3A_153 = arith.constant 0 : i32
      %dma_wait3A_154 = tpu.memref_slice %arg5[%run_scoped3A, %add3A, %dma_wait3A_153] : memref<2x32x128xf32, #tpu.memory_space<hbm>> -> memref<1x1x128xf32, #tpu.memory_space<hbm>>
      %dma_wait3A_155 = tpu.memref_squeeze %dma_wait3A_154 : memref<1x1x128xf32, #tpu.memory_space<hbm>> -> memref<128xf32, #tpu.memory_space<hbm>>
      tpu.wait_dma2 semaphore(%run_scoped3A_143 : memref<!tpu.dma_semaphore, #tpu.memory_space<semaphore_mem>>) src(%arg8 : memref<128xf32, #tpu.memory_space<vmem>>) dst(%dma_wait3A_155 : memref<128xf32, #tpu.memory_space<hbm>>)
      tpu.yield
    }) : () -> ()
    %run_scoped3A_142 = arith.constant 1 : i32
    "tpu.region"() ({
      %run_scoped3A_143 = tpu.sem_alloc : memref<!tpu.dma_semaphore, #tpu.memory_space<semaphore_mem>>
      %dma_start3A_144 = arith.constant 0 : i32
      %dma_start3A_145 = tpu.memref_slice %arg5[%run_scoped3A_142, %add3A, %dma_start3A_144] : memref<2x32x128xf32, #tpu.memory_space<hbm>> -> memref<1x1x128xf32, #tpu.memory_space<hbm>>
      %dma_start3A_146 = tpu.memref_squeeze %dma_start3A_145 : memref<1x1x128xf32, #tpu.memory_space<hbm>> -> memref<128xf32, #tpu.memory_space<hbm>>
      %dma_start3A_147 = arith.constant 0 : i32
      %dma_start3A_148 = tpu.memref_slice %arg5[%run_scoped3A_142, %add3A, %dma_start3A_147] : memref<2x32x128xf32, #tpu.memory_space<hbm>> -> memref<1x1x128xf32, #tpu.memory_space<hbm>>
      %dma_start3A_149 = tpu.memref_squeeze %dma_start3A_148 : memref<1x1x128xf32, #tpu.memory_space<hbm>> -> memref<128xf32, #tpu.memory_space<hbm>>
      tpu.enqueue_dma source(%arg9 : memref<128xf32, #tpu.memory_space<vmem>>) target(%dma_start3A_149 : memref<128xf32, #tpu.memory_space<hbm>>) target_semaphore(%run_scoped3A_143 : memref<!tpu.dma_semaphore, #tpu.memory_space<semaphore_mem>>)
      %dma_wait3A_150 = arith.constant 0 : i32
      %dma_wait3A_151 = tpu.memref_slice %arg5[%run_scoped3A_142, %add3A, %dma_wait3A_150] : memref<2x32x128xf32, #tpu.memory_space<hbm>> -> memref<1x1x128xf32, #tpu.memory_space<hbm>>
      %dma_wait3A_152 = tpu.memref_squeeze %dma_wait3A_151 : memref<1x1x128xf32, #tpu.memory_space<hbm>> -> memref<128xf32, #tpu.memory_space<hbm>>
      %dma_wait3A_153 = arith.constant 0 : i32
      %dma_wait3A_154 = tpu.memref_slice %arg5[%run_scoped3A_142, %add3A, %dma_wait3A_153] : memref<2x32x128xf32, #tpu.memory_space<hbm>> -> memref<1x1x128xf32, #tpu.memory_space<hbm>>
      %dma_wait3A_155 = tpu.memref_squeeze %dma_wait3A_154 : memref<1x1x128xf32, #tpu.memory_space<hbm>> -> memref<128xf32, #tpu.memory_space<hbm>>
      tpu.wait_dma2 semaphore(%run_scoped3A_143 : memref<!tpu.dma_semaphore, #tpu.memory_space<semaphore_mem>>) src(%arg9 : memref<128xf32, #tpu.memory_space<vmem>>) dst(%dma_wait3A_155 : memref<128xf32, #tpu.memory_space<hbm>>)
      tpu.yield
    }) : () -> ()
    return
  }
}

module attributes {stable_mosaic.version = 14 : i64} {
  func.func @_tc_body(%arg0: i32, %arg1: memref<512x1000xf32, #tpu.memory_space<vmem>>, %arg2: memref<512x1000xf32, #tpu.memory_space<vmem>>, %arg3: memref<2x32x128xf32, #tpu.memory_space<vmem>>, %arg4: memref<1xi32, #tpu.memory_space<smem>>, %arg5: memref<1xf32, #tpu.memory_space<smem>>, %arg6: memref<1xf32, #tpu.memory_space<smem>>, %arg7: memref<32x128xf32, #tpu.memory_space<vmem>>, %arg8: memref<32x128xf32, #tpu.memory_space<vmem>>) attributes {dimension_semantics = [#tpu.dimension_semantics<arbitrary>], iteration_bounds = array<i64: 8>, scalar_prefetch = 0 : i64, scratch_operands = 2 : i64, tpu.core_type = #tpu.core_type<tc>, window_params = [{transform_indices = @transform_0, window_bounds = array<i64: 512, 1000>}, {transform_indices = @transform_1, window_bounds = array<i64: 512, 1000>}, {pipeline_mode = #tpu.pipeline_mode<synchronous>, transform_indices = @transform_2, window_bounds = array<i64: 2, 32, 128>}, {transform_indices = @transform_3, window_bounds = array<i64: 1>}, {transform_indices = @transform_4, window_bounds = array<i64: 1>}, {transform_indices = @transform_5, window_bounds = array<i64: 1>}]} {
    %get3A = arith.constant 0 : index
    %get3A_0 = arith.constant 0 : index
    %get3A_1 = vector.load %arg1[%get3A, %get3A_0] : memref<512x1000xf32, #tpu.memory_space<vmem>>, vector<512x1000xf32>
    %reduce_max3A = arith.constant dense<0xFF800000> : vector<512xf32>
    %reduce_max3A_2 = vector.multi_reduction <maximumf>, %get3A_1, %reduce_max3A [1] : vector<512x1000xf32> to vector<512xf32>
    %broadcast_in_dim3A = vector.shape_cast %reduce_max3A_2 : vector<512xf32> to vector<512x1xf32>
    %is_finite3A = tpu.weird %broadcast_in_dim3A : vector<512x1xf32> -> vector<512x1xi1>
    %is_finite3A_3 = arith.constant dense<true> : vector<512x1xi1>
    %is_finite3A_4 = arith.xori %is_finite3A, %is_finite3A_3 : vector<512x1xi1>
    %jit3A = arith.constant 0.000000e+00 : f32
    %broadcast_in_dim3A_5 = vector.broadcast %jit3A : f32 to vector<512x1xf32>
    %select_n3A = arith.select %is_finite3A_4, %broadcast_in_dim3A, %broadcast_in_dim3A_5 : vector<512x1xi1>, vector<512x1xf32>
    %sub3A = vector.broadcast %select_n3A : vector<512x1xf32> to vector<512x1000xf32>
    %sub3A_6 = arith.subf %get3A_1, %sub3A : vector<512x1000xf32>
    %exp3A = math.exp %sub3A_6 : vector<512x1000xf32>
    %reduce_sum3A = arith.constant dense<0.000000e+00> : vector<512xf32>
    %reduce_sum3A_7 = vector.multi_reduction <add>, %exp3A, %reduce_sum3A [1] : vector<512x1000xf32> to vector<512xf32>
    %broadcast_in_dim3A_8 = vector.shape_cast %reduce_sum3A_7 : vector<512xf32> to vector<512x1xf32>
    %log3A = math.log %broadcast_in_dim3A_8 : vector<512x1xf32>
    %add3A = arith.addf %log3A, %select_n3A : vector<512x1xf32>
    %reshape3A = vector.shape_cast %add3A : vector<512x1xf32> to vector<4x128xf32>
    %mul3A = arith.constant 4 : i32
    %mul3A_9 = arith.muli %arg0, %mul3A : i32
    %swap3A = arith.index_cast %mul3A_9 : i32 to index
    %swap3A_10 = arith.constant 0 : index
    %swap3A_11 = vector.load %arg7[%swap3A, %swap3A_10] : memref<32x128xf32, #tpu.memory_space<vmem>>, vector<4x128xf32>
    tpu.vector_store %arg7[%swap3A, %swap3A_10], %reshape3A {strides = array<i32>} : memref<32x128xf32, #tpu.memory_space<vmem>>, vector<4x128xf32>,
    %get3A_12 = arith.constant 0 : index
    %get3A_13 = arith.constant 0 : index
    %get3A_14 = vector.load %arg2[%get3A_12, %get3A_13] : memref<512x1000xf32, #tpu.memory_space<vmem>>, vector<512x1000xf32>
    %reduce_max3A_15 = arith.constant dense<0xFF800000> : vector<512xf32>
    %reduce_max3A_16 = vector.multi_reduction <maximumf>, %get3A_14, %reduce_max3A_15 [1] : vector<512x1000xf32> to vector<512xf32>
    %broadcast_in_dim3A_17 = vector.shape_cast %reduce_max3A_16 : vector<512xf32> to vector<512x1xf32>
    %is_finite3A_18 = tpu.weird %broadcast_in_dim3A_17 : vector<512x1xf32> -> vector<512x1xi1>
    %is_finite3A_19 = arith.constant dense<true> : vector<512x1xi1>
    %is_finite3A_20 = arith.xori %is_finite3A_18, %is_finite3A_19 : vector<512x1xi1>
    %jit3A_21 = arith.constant 0.000000e+00 : f32
    %broadcast_in_dim3A_22 = vector.broadcast %jit3A_21 : f32 to vector<512x1xf32>
    %select_n3A_23 = arith.select %is_finite3A_20, %broadcast_in_dim3A_17, %broadcast_in_dim3A_22 : vector<512x1xi1>, vector<512x1xf32>
    %sub3A_24 = vector.broadcast %select_n3A_23 : vector<512x1xf32> to vector<512x1000xf32>
    %sub3A_25 = arith.subf %get3A_14, %sub3A_24 : vector<512x1000xf32>
    %exp3A_26 = math.exp %sub3A_25 : vector<512x1000xf32>
    %reduce_sum3A_27 = arith.constant dense<0.000000e+00> : vector<512xf32>
    %reduce_sum3A_28 = vector.multi_reduction <add>, %exp3A_26, %reduce_sum3A_27 [1] : vector<512x1000xf32> to vector<512xf32>
    %broadcast_in_dim3A_29 = vector.shape_cast %reduce_sum3A_28 : vector<512xf32> to vector<512x1xf32>
    %log3A_30 = math.log %broadcast_in_dim3A_29 : vector<512x1xf32>
    %add3A_31 = arith.addf %log3A_30, %select_n3A_23 : vector<512x1xf32>
    %reshape3A_32 = vector.shape_cast %add3A_31 : vector<512x1xf32> to vector<4x128xf32>
    %mul3A_33 = arith.constant 4 : i32
    %mul3A_34 = arith.muli %arg0, %mul3A_33 : i32
    %swap3A_35 = arith.index_cast %mul3A_34 : i32 to index
    %swap3A_36 = arith.constant 0 : index
    %swap3A_37 = vector.load %arg8[%swap3A_35, %swap3A_36] : memref<32x128xf32, #tpu.memory_space<vmem>>, vector<4x128xf32>
    tpu.vector_store %arg8[%swap3A_35, %swap3A_36], %reshape3A_32 {strides = array<i32>} : memref<32x128xf32, #tpu.memory_space<vmem>>, vector<4x128xf32>,
    %eq3A = arith.constant 7 : i32
    %eq3A_38 = arith.cmpi eq, %arg0, %eq3A : i32
    %convert_element_type3A = arith.extui %eq3A_38 : i1 to i32
    %cond3A = arith.constant 0 : i32
    %cond3A_39 = arith.cmpi ne, %convert_element_type3A, %cond3A : i32
    scf.if %cond3A_39 {
      %get3A_40 = arith.constant 0 : index
      %get3A_41 = memref.load %arg4[%get3A_40] : memref<1xi32, #tpu.memory_space<smem>>
      %get3A_42 = arith.constant 0 : index
      %get3A_43 = arith.constant 0 : index
      %get3A_44 = vector.load %arg7[%get3A_42, %get3A_43] : memref<32x128xf32, #tpu.memory_space<vmem>>, vector<32x128xf32>
      %get3A_45 = arith.constant 0 : index
      %get3A_46 = arith.constant 0 : index
      %get3A_47 = arith.constant 0 : index
      %get3A_48 = vector.load %arg3[%get3A_45, %get3A_46, %get3A_47] : memref<2x32x128xf32, #tpu.memory_space<vmem>>, vector<1x32x128xf32>
      %get3A_49 = vector.shape_cast %get3A_48 : vector<1x32x128xf32> to vector<32x128xf32>
      %sub3A_50 = arith.subf %get3A_44, %get3A_49 : vector<32x128xf32>
      %get3A_51 = arith.constant 0 : index
      %get3A_52 = arith.constant 0 : index
      %get3A_53 = vector.load %arg8[%get3A_51, %get3A_52] : memref<32x128xf32, #tpu.memory_space<vmem>>, vector<32x128xf32>
      %get3A_54 = arith.constant 1 : index
      %get3A_55 = arith.constant 0 : index
      %get3A_56 = arith.constant 0 : index
      %get3A_57 = vector.load %arg3[%get3A_54, %get3A_55, %get3A_56] : memref<2x32x128xf32, #tpu.memory_space<vmem>>, vector<1x32x128xf32>
      %get3A_58 = vector.shape_cast %get3A_57 : vector<1x32x128xf32> to vector<32x128xf32>
      %sub3A_59 = arith.subf %get3A_53, %get3A_58 : vector<32x128xf32>
      %bitcast_convert_type3A = tpu.bitcast %sub3A_50 : vector<32x128xf32> -> vector<32x128xi32>
      %ge3A = arith.constant -2147483648 : i32
      %ge3A_60 = vector.broadcast %ge3A : i32 to vector<32x128xi32>
      %ge3A_61 = arith.cmpi uge, %bitcast_convert_type3A, %ge3A_60 : vector<32x128xi32>
      %not3A = arith.constant dense<-1> : vector<32x128xi32>
      %not3A_62 = arith.xori %bitcast_convert_type3A, %not3A : vector<32x128xi32>
      %or3A = arith.constant -2147483648 : i32
      %or3A_63 = vector.broadcast %or3A : i32 to vector<32x128xi32>
      %or3A_64 = arith.ori %bitcast_convert_type3A, %or3A_63 : vector<32x128xi32>
      %select_n3A_65 = arith.select %ge3A_61, %not3A_62, %or3A_64 : vector<32x128xi1>, vector<32x128xi32>
      %bitcast_convert_type3A_66 = tpu.bitcast %sub3A_59 : vector<32x128xf32> -> vector<32x128xi32>
      %ge3A_67 = arith.constant -2147483648 : i32
      %ge3A_68 = vector.broadcast %ge3A_67 : i32 to vector<32x128xi32>
      %ge3A_69 = arith.cmpi uge, %bitcast_convert_type3A_66, %ge3A_68 : vector<32x128xi32>
      %not3A_70 = arith.constant dense<-1> : vector<32x128xi32>
      %not3A_71 = arith.xori %bitcast_convert_type3A_66, %not3A_70 : vector<32x128xi32>
      %or3A_72 = arith.constant -2147483648 : i32
      %or3A_73 = vector.broadcast %or3A_72 : i32 to vector<32x128xi32>
      %or3A_74 = arith.ori %bitcast_convert_type3A_66, %or3A_73 : vector<32x128xi32>
      %select_n3A_75 = arith.select %ge3A_69, %not3A_71, %or3A_74 : vector<32x128xi1>, vector<32x128xi32>
      %iota3A = tpu.iota {dimensions = array<i32: 0>} : vector<32x128xi32>
      %mul3A_76 = arith.constant 128 : i32
      %mul3A_77 = vector.broadcast %mul3A_76 : i32 to vector<32x128xi32>
      %mul3A_78 = arith.muli %iota3A, %mul3A_77 : vector<32x128xi32>
      %iota3A_79 = tpu.iota {dimensions = array<i32: 1>} : vector<32x128xi32>
      %add3A_80 = arith.addi %mul3A_78, %iota3A_79 : vector<32x128xi32>
      %scan3A = arith.constant 0 : i32
      %scan3A_81 = arith.constant -1 : i32
      %scan3A_82 = arith.constant 0 : i32
      %scan3A_83 = arith.constant 32 : i32
      %scan3A_84 = arith.addi %scan3A_82, %scan3A_83 : i32
      %scan3A_85 = arith.constant 1 : i32
      %scan3A_86:2 = scf.for %scan3A_164 = %scan3A_82 to %scan3A_84 step %scan3A_85 iter_args(%scan3A_165 = %scan3A, %scan3A_166 = %scan3A_81) -> (i32, i32)  : i32 {
        %sub3A_167 = arith.subi %scan3A_166, %scan3A_165 : i32
        %shift_right_logical3A = arith.constant 1 : i32
        %shift_right_logical3A_168 = arith.shrui %sub3A_167, %shift_right_logical3A : i32
        %add3A_169 = arith.addi %scan3A_165, %shift_right_logical3A_168 : i32
        %le3A = vector.broadcast %add3A_169 : i32 to vector<32x128xi32>
        %le3A_170 = arith.cmpi ule, %select_n3A_75, %le3A : vector<32x128xi32>
        %convert_element_type3A_171 = arith.extui %le3A_170 : vector<32x128xi1> to vector<32x128xi32>
        %reduce_sum3A_172 = vector.shape_cast %convert_element_type3A_171 : vector<32x128xi32> to vector<1x32x128xi32>
        %reduce_sum3A_173 = arith.constant dense<0> : vector<1xi32>
        %reduce_sum3A_174 = vector.multi_reduction <add>, %reduce_sum3A_172, %reduce_sum3A_173 [1, 2] : vector<1x32x128xi32> to vector<1xi32>
        %reduce_sum3A_175 = vector.shape_cast %reduce_sum3A_174 : vector<1xi32> to vector<1x1x1xi32>
        %reduce_sum3A_176 = vector.extract %reduce_sum3A_175[0, 0, 0] : i32 from vector<1x1x1xi32>
        %ge3A_177 = arith.cmpi sge, %reduce_sum3A_176, %get3A_41 : i32
        %add3A_178 = arith.constant 1 : i32
        %add3A_179 = arith.addi %add3A_169, %add3A_178 : i32
        %select_n3A_180 = arith.select %ge3A_177, %scan3A_165, %add3A_179 : i32
        %ge3A_181 = arith.cmpi sge, %reduce_sum3A_176, %get3A_41 : i32
        %select_n3A_182 = arith.select %ge3A_181, %add3A_169, %scan3A_166 : i32
        scf.yield %select_n3A_180, %select_n3A_182 : i32, i32
      }
      %lt3A = vector.broadcast %scan3A_86#1 : i32 to vector<32x128xi32>
      %lt3A_87 = arith.cmpi ult, %select_n3A_75, %lt3A : vector<32x128xi32>
      %convert_element_type3A_88 = arith.extui %lt3A_87 : vector<32x128xi1> to vector<32x128xi32>
      %reduce_sum3A_89 = vector.shape_cast %convert_element_type3A_88 : vector<32x128xi32> to vector<1x32x128xi32>
      %reduce_sum3A_90 = arith.constant dense<0> : vector<1xi32>
      %reduce_sum3A_91 = vector.multi_reduction <add>, %reduce_sum3A_89, %reduce_sum3A_90 [1, 2] : vector<1x32x128xi32> to vector<1xi32>
      %reduce_sum3A_92 = vector.shape_cast %reduce_sum3A_91 : vector<1xi32> to vector<1x1x1xi32>
      %reduce_sum3A_93 = vector.extract %reduce_sum3A_92[0, 0, 0] : i32 from vector<1x1x1xi32>
      %eq3A_94 = vector.broadcast %scan3A_86#1 : i32 to vector<32x128xi32>
      %eq3A_95 = arith.cmpi eq, %select_n3A_75, %eq3A_94 : vector<32x128xi32>
      %scan3A_96 = arith.constant 0 : i32
      %scan3A_97 = arith.constant 4096 : i32
      %scan3A_98 = arith.constant 0 : i32
      %scan3A_99 = arith.constant 13 : i32
      %scan3A_100 = arith.addi %scan3A_98, %scan3A_99 : i32
      %scan3A_101 = arith.constant 1 : i32
      %scan3A_102:2 = scf.for %scan3A_164 = %scan3A_98 to %scan3A_100 step %scan3A_101 iter_args(%scan3A_165 = %scan3A_96, %scan3A_166 = %scan3A_97) -> (i32, i32)  : i32 {
        %sub3A_167 = arith.subi %scan3A_166, %scan3A_165 : i32
        %shift_right_arithmetic3A = arith.constant 1 : i32
        %shift_right_arithmetic3A_168 = arith.shrsi %sub3A_167, %shift_right_arithmetic3A : i32
        %add3A_169 = arith.addi %scan3A_165, %shift_right_arithmetic3A_168 : i32
        %lt3A_170 = vector.broadcast %add3A_169 : i32 to vector<32x128xi32>
        %lt3A_171 = arith.cmpi slt, %add3A_80, %lt3A_170 : vector<32x128xi32>
        %and3A_172 = arith.andi %eq3A_95, %lt3A_171 : vector<32x128xi1>
        %convert_element_type3A_173 = arith.extui %and3A_172 : vector<32x128xi1> to vector<32x128xi32>
        %reduce_sum3A_174 = vector.shape_cast %convert_element_type3A_173 : vector<32x128xi32> to vector<1x32x128xi32>
        %reduce_sum3A_175 = arith.constant dense<0> : vector<1xi32>
        %reduce_sum3A_176 = vector.multi_reduction <add>, %reduce_sum3A_174, %reduce_sum3A_175 [1, 2] : vector<1x32x128xi32> to vector<1xi32>
        %reduce_sum3A_177 = vector.shape_cast %reduce_sum3A_176 : vector<1xi32> to vector<1x1x1xi32>
        %reduce_sum3A_178 = vector.extract %reduce_sum3A_177[0, 0, 0] : i32 from vector<1x1x1xi32>
        %add3A_179 = arith.addi %reduce_sum3A_93, %reduce_sum3A_178 : i32
        %ge3A_180 = arith.cmpi sge, %add3A_179, %get3A_41 : i32
        %add3A_181 = arith.constant 1 : i32
        %add3A_182 = arith.addi %add3A_169, %add3A_181 : i32
        %select_n3A_183 = arith.select %ge3A_180, %scan3A_165, %add3A_182 : i32
        %ge3A_184 = arith.cmpi sge, %add3A_179, %get3A_41 : i32
        %select_n3A_185 = arith.select %ge3A_184, %add3A_169, %scan3A_166 : i32
        scf.yield %select_n3A_183, %select_n3A_185 : i32, i32
      }
      %scan3A_103 = arith.constant 0 : i32
      %scan3A_104 = arith.constant -1 : i32
      %scan3A_105 = arith.constant 0 : i32
      %scan3A_106 = arith.constant 32 : i32
      %scan3A_107 = arith.addi %scan3A_105, %scan3A_106 : i32
      %scan3A_108 = arith.constant 1 : i32
      %scan3A_109:2 = scf.for %scan3A_164 = %scan3A_105 to %scan3A_107 step %scan3A_108 iter_args(%scan3A_165 = %scan3A_103, %scan3A_166 = %scan3A_104) -> (i32, i32)  : i32 {
        %sub3A_167 = arith.subi %scan3A_166, %scan3A_165 : i32
        %shift_right_logical3A = arith.constant 1 : i32
        %shift_right_logical3A_168 = arith.shrui %sub3A_167, %shift_right_logical3A : i32
        %add3A_169 = arith.addi %scan3A_165, %shift_right_logical3A_168 : i32
        %le3A = vector.broadcast %add3A_169 : i32 to vector<32x128xi32>
        %le3A_170 = arith.cmpi ule, %select_n3A_65, %le3A : vector<32x128xi32>
        %convert_element_type3A_171 = arith.extui %le3A_170 : vector<32x128xi1> to vector<32x128xi32>
        %reduce_sum3A_172 = vector.shape_cast %convert_element_type3A_171 : vector<32x128xi32> to vector<1x32x128xi32>
        %reduce_sum3A_173 = arith.constant dense<0> : vector<1xi32>
        %reduce_sum3A_174 = vector.multi_reduction <add>, %reduce_sum3A_172, %reduce_sum3A_173 [1, 2] : vector<1x32x128xi32> to vector<1xi32>
        %reduce_sum3A_175 = vector.shape_cast %reduce_sum3A_174 : vector<1xi32> to vector<1x1x1xi32>
        %reduce_sum3A_176 = vector.extract %reduce_sum3A_175[0, 0, 0] : i32 from vector<1x1x1xi32>
        %ge3A_177 = arith.cmpi sge, %reduce_sum3A_176, %get3A_41 : i32
        %add3A_178 = arith.constant 1 : i32
        %add3A_179 = arith.addi %add3A_169, %add3A_178 : i32
        %select_n3A_180 = arith.select %ge3A_177, %scan3A_165, %add3A_179 : i32
        %ge3A_181 = arith.cmpi sge, %reduce_sum3A_176, %get3A_41 : i32
        %select_n3A_182 = arith.select %ge3A_181, %add3A_169, %scan3A_166 : i32
        scf.yield %select_n3A_180, %select_n3A_182 : i32, i32
      }
      %lt3A_110 = vector.broadcast %scan3A_109#1 : i32 to vector<32x128xi32>
      %lt3A_111 = arith.cmpi ult, %select_n3A_65, %lt3A_110 : vector<32x128xi32>
      %convert_element_type3A_112 = arith.extui %lt3A_111 : vector<32x128xi1> to vector<32x128xi32>
      %reduce_sum3A_113 = vector.shape_cast %convert_element_type3A_112 : vector<32x128xi32> to vector<1x32x128xi32>
      %reduce_sum3A_114 = arith.constant dense<0> : vector<1xi32>
      %reduce_sum3A_115 = vector.multi_reduction <add>, %reduce_sum3A_113, %reduce_sum3A_114 [1, 2] : vector<1x32x128xi32> to vector<1xi32>
      %reduce_sum3A_116 = vector.shape_cast %reduce_sum3A_115 : vector<1xi32> to vector<1x1x1xi32>
      %reduce_sum3A_117 = vector.extract %reduce_sum3A_116[0, 0, 0] : i32 from vector<1x1x1xi32>
      %eq3A_118 = vector.broadcast %scan3A_109#1 : i32 to vector<32x128xi32>
      %eq3A_119 = arith.cmpi eq, %select_n3A_65, %eq3A_118 : vector<32x128xi32>
      %scan3A_120 = arith.constant 0 : i32
      %scan3A_121 = arith.constant 4096 : i32
      %scan3A_122 = arith.constant 0 : i32
      %scan3A_123 = arith.constant 13 : i32
      %scan3A_124 = arith.addi %scan3A_122, %scan3A_123 : i32
      %scan3A_125 = arith.constant 1 : i32
      %scan3A_126:2 = scf.for %scan3A_164 = %scan3A_122 to %scan3A_124 step %scan3A_125 iter_args(%scan3A_165 = %scan3A_120, %scan3A_166 = %scan3A_121) -> (i32, i32)  : i32 {
        %sub3A_167 = arith.subi %scan3A_166, %scan3A_165 : i32
        %shift_right_arithmetic3A = arith.constant 1 : i32
        %shift_right_arithmetic3A_168 = arith.shrsi %sub3A_167, %shift_right_arithmetic3A : i32
        %add3A_169 = arith.addi %scan3A_165, %shift_right_arithmetic3A_168 : i32
        %lt3A_170 = vector.broadcast %add3A_169 : i32 to vector<32x128xi32>
        %lt3A_171 = arith.cmpi slt, %add3A_80, %lt3A_170 : vector<32x128xi32>
        %and3A_172 = arith.andi %eq3A_119, %lt3A_171 : vector<32x128xi1>
        %convert_element_type3A_173 = arith.extui %and3A_172 : vector<32x128xi1> to vector<32x128xi32>
        %reduce_sum3A_174 = vector.shape_cast %convert_element_type3A_173 : vector<32x128xi32> to vector<1x32x128xi32>
        %reduce_sum3A_175 = arith.constant dense<0> : vector<1xi32>
        %reduce_sum3A_176 = vector.multi_reduction <add>, %reduce_sum3A_174, %reduce_sum3A_175 [1, 2] : vector<1x32x128xi32> to vector<1xi32>
        %reduce_sum3A_177 = vector.shape_cast %reduce_sum3A_176 : vector<1xi32> to vector<1x1x1xi32>
        %reduce_sum3A_178 = vector.extract %reduce_sum3A_177[0, 0, 0] : i32 from vector<1x1x1xi32>
        %add3A_179 = arith.addi %reduce_sum3A_117, %reduce_sum3A_178 : i32
        %ge3A_180 = arith.cmpi sge, %add3A_179, %get3A_41 : i32
        %add3A_181 = arith.constant 1 : i32
        %add3A_182 = arith.addi %add3A_169, %add3A_181 : i32
        %select_n3A_183 = arith.select %ge3A_180, %scan3A_165, %add3A_182 : i32
        %ge3A_184 = arith.cmpi sge, %add3A_179, %get3A_41 : i32
        %select_n3A_185 = arith.select %ge3A_184, %add3A_169, %scan3A_166 : i32
        scf.yield %select_n3A_183, %select_n3A_185 : i32, i32
      }
      %lt3A_127 = vector.broadcast %scan3A_86#1 : i32 to vector<32x128xi32>
      %lt3A_128 = arith.cmpi ult, %select_n3A_75, %lt3A_127 : vector<32x128xi32>
      %eq3A_129 = vector.broadcast %scan3A_86#1 : i32 to vector<32x128xi32>
      %eq3A_130 = arith.cmpi eq, %select_n3A_75, %eq3A_129 : vector<32x128xi32>
      %lt3A_131 = vector.broadcast %scan3A_102#1 : i32 to vector<32x128xi32>
      %lt3A_132 = arith.cmpi slt, %add3A_80, %lt3A_131 : vector<32x128xi32>
      %and3A = arith.andi %eq3A_130, %lt3A_132 : vector<32x128xi1>
      %or3A_133 = arith.ori %lt3A_128, %and3A : vector<32x128xi1>
      %lt3A_134 = vector.broadcast %scan3A_109#1 : i32 to vector<32x128xi32>
      %lt3A_135 = arith.cmpi ult, %select_n3A_65, %lt3A_134 : vector<32x128xi32>
      %eq3A_136 = vector.broadcast %scan3A_109#1 : i32 to vector<32x128xi32>
      %eq3A_137 = arith.cmpi eq, %select_n3A_65, %eq3A_136 : vector<32x128xi32>
      %lt3A_138 = vector.broadcast %scan3A_126#1 : i32 to vector<32x128xi32>
      %lt3A_139 = arith.cmpi slt, %add3A_80, %lt3A_138 : vector<32x128xi32>
      %and3A_140 = arith.andi %eq3A_137, %lt3A_139 : vector<32x128xi1>
      %or3A_141 = arith.ori %lt3A_135, %and3A_140 : vector<32x128xi1>
      %convert_element_type3A_142 = arith.sitofp %get3A_41 : i32 to f32
      %jit3A_143 = arith.constant 0.000000e+00 : f32
      %broadcast_in_dim3A_144 = vector.broadcast %jit3A_143 : f32 to vector<32x128xf32>
      %select_n3A_145 = arith.select %or3A_133, %sub3A_50, %broadcast_in_dim3A_144 : vector<32x128xi1>, vector<32x128xf32>
      %reduce_sum3A_146 = vector.shape_cast %select_n3A_145 : vector<32x128xf32> to vector<1x32x128xf32>
      %reduce_sum3A_147 = arith.constant dense<0.000000e+00> : vector<1xf32>
      %reduce_sum3A_148 = vector.multi_reduction <add>, %reduce_sum3A_146, %reduce_sum3A_147 [1, 2] : vector<1x32x128xf32> to vector<1xf32>
      %reduce_sum3A_149 = vector.shape_cast %reduce_sum3A_148 : vector<1xf32> to vector<1x1x1xf32>
      %reduce_sum3A_150 = vector.extract %reduce_sum3A_149[0, 0, 0] : f32 from vector<1x1x1xf32>
      %div3A = arith.divf %reduce_sum3A_150, %convert_element_type3A_142 : f32
      %swap3A_151 = arith.constant 0 : index
      %swap3A_152 = memref.load %arg5[%swap3A_151] : memref<1xf32, #tpu.memory_space<smem>>
      memref.store %div3A, %arg5[%swap3A_151] : memref<1xf32, #tpu.memory_space<smem>>
      %jit3A_153 = arith.constant 0.000000e+00 : f32
      %broadcast_in_dim3A_154 = vector.broadcast %jit3A_153 : f32 to vector<32x128xf32>
      %select_n3A_155 = arith.select %or3A_141, %sub3A_59, %broadcast_in_dim3A_154 : vector<32x128xi1>, vector<32x128xf32>
      %reduce_sum3A_156 = vector.shape_cast %select_n3A_155 : vector<32x128xf32> to vector<1x32x128xf32>
      %reduce_sum3A_157 = arith.constant dense<0.000000e+00> : vector<1xf32>
      %reduce_sum3A_158 = vector.multi_reduction <add>, %reduce_sum3A_156, %reduce_sum3A_157 [1, 2] : vector<1x32x128xf32> to vector<1xf32>
      %reduce_sum3A_159 = vector.shape_cast %reduce_sum3A_158 : vector<1xf32> to vector<1x1x1xf32>
      %reduce_sum3A_160 = vector.extract %reduce_sum3A_159[0, 0, 0] : f32 from vector<1x1x1xf32>
      %div3A_161 = arith.divf %reduce_sum3A_160, %convert_element_type3A_142 : f32
      %swap3A_162 = arith.constant 0 : index
      %swap3A_163 = memref.load %arg6[%swap3A_162] : memref<1xf32, #tpu.memory_space<smem>>
      memref.store %div3A_161, %arg6[%swap3A_162] : memref<1xf32, #tpu.memory_space<smem>>
    } else {
    }
    return
  }
  func.func @transform_0(%arg0: i32) -> (i32, i32) {
    %c0_i32 = arith.constant 0 : i32
    %c0_i32_0 = arith.constant 0 : i32
    return %arg0, %c0_i32 : i32, i32
  }
  func.func @transform_1(%arg0: i32) -> (i32, i32) {
    %c0_i32 = arith.constant 0 : i32
    %c0_i32_0 = arith.constant 0 : i32
    return %arg0, %c0_i32 : i32, i32
  }
  func.func @transform_2(%arg0: i32) -> (i32, i32, i32) {
    %c0_i32 = arith.constant 0 : i32
    %c0_i32_0 = arith.constant 0 : i32
    %c0_i32_1 = arith.constant 0 : i32
    %c0_i32_2 = arith.constant 0 : i32
    return %c0_i32, %c0_i32_0, %c0_i32_1 : i32, i32, i32
  }
  func.func @transform_3(%arg0: i32) -> i32 {
    %c0_i32 = arith.constant 0 : i32
    %c0_i32_0 = arith.constant 0 : i32
    return %c0_i32 : i32
  }
  func.func @transform_4(%arg0: i32) -> i32 {
    %c0_i32 = arith.constant 0 : i32
    %c0_i32_0 = arith.constant 0 : i32
    return %c0_i32 : i32
  }
  func.func @transform_5(%arg0: i32) -> i32 {
    %c0_i32 = arith.constant 0 : i32
    %c0_i32_0 = arith.constant 0 : i32
    return %c0_i32 : i32
  }
}

</mosaic_0001>

<sc_bundles>
// kernel: kernel.4.cloned.1.call-start
scs
__scs_entry_jumppad:
0x0: {  	(pc) =	sbr.rel $0x88, $3  }
0x1: {  	(tag) =	ssettag $0x0;
	lr =	simm.s32 $0x1  }
0x2: {  	[smem:$0x3F9D] =	sst lr;
	_ =	strace $0xD0000000  }
0x3: {  	_ = 	snop  }
0x4: {  	_ = 	snop  }
0x5: {  	_ = 	snop  }
0x6: {  	_ = 	snop  }
0x7: {  	_ = 	snop  }
__scs_overlays_trampoline_lowered:
0x8: {  	[smem:$0x3FAC] =	sst s0  }
0x9: {  	[smem:$0x3FAD] =	sst s1  }
0xa: {  	[smem:$0x3FAE] =	sst s2  }
0xb: {  	[smem:$0x3FAF] =	sst s3  }
0xc: {  	[smem:$0x3FB0] =	sst s4  }
0xd: {  	[smem:$0x3FB1] =	sst s5  }
0xe: {  	[smem:$0x3FB2] =	sst s6  }
0xf: {  	[smem:$0x3FB3] =	sst s7  }
0x10: {  	[smem:$0x3FB4] =	sst s8  }
0x11: {  	[smem:$0x3FB5] =	sst s9;
	s0 =	simm.s32 @!p0 $0x0  }
0x12: {  	s1 =	sld [smem:$0x3F9B];
	s0 =	simm.s32 @p0 $0x1  }
0x13: {  	[smem:$0x3FB6] =	sst s0;
	s0 =	simm.s32 @!p1 $0x0  }
0x14: {  	s2 =	sld [smem:$0x3F9A];
	s0 =	simm.s32 @p1 $0x1  }
0x15: {  	[smem:$0x3FB7] =	sst s0;
	s0 =	simm.s32 @!p2 $0x0  }
0x16: {  	s3 =	sld [smem:$0x3FDB];
	s0 =	simm.s32 @p2 $0x1  }
0x17: {  	s4 =	simm.s32 $0x1BF5;
	[smem:$0x3FB9] =	sst s0  }
0x18: {  	s0 =	sld [smem:$0x3F9C];
	_ =	swait.ge [sflag:s4], $0x0  }
0x19: {  	s7 =	sld [smem:$0x3F9D]  }
0x1a: {  	s8 =	sadd.s32 $0xFFFFE003, lr  }
0x1b: {  	s9 =	sadd.s32 $0xFFFFFEF7, lr;
	s5 =	simm.s32 $0xFFFFFFFF;
	p2 =	slt.u32 s8, $0xFFFFF086  }
0x1c: {  	p1 =	slt.u32 s9, $0xF7A;
	s5 =	simm.s32 @!p2 $0x0  }
0x1d: {  	s5 =	simm.s32 @p1 $0x1;
	p0 =	seq.s32 s7, s2  }
0x1e: {  	s7 =	smul.u32 @!p0 $0xF7A, s2;
	p2 =	seq.s32 @!p0 s5, $0x0  }
0x1f: {  	s9 =	smul.u32 $0xF7A, s1;
	s8 =	simm.s32 @!p0 $0x1BF5;
	p2 =	por !p2, p0  }
0x20: {  	[sflag:s8] =	ssyncset.s32 @!p0 $0xFFFFF086;
	s6 =	sadd.s32 @!p0 s3, s7;
	s7 =	simm.s32 @!p0 $0x108  }
0x21: {  	s3 =	sadd.s32 s3, s9;
	s6 =	sadd.s32 @!p0 $0x88, s6;
	s7 =	simm.s32 @p2 $0x1082  }
0x22: {  	[simem:s7], [sflag:s8] =	dma.local @!p0 [hbm:s6], $0xF7A  }
0x23: {  	s9 =	sor.u32 $0xD0000000, s2;
	s6 =	simm.s32 $0x108;
	_ =	swait.ge @!p0 [sflag:s8], $0x0  }
0x24: {  	s3 =	sadd.s32 $0x88, s3;
	s6 =	simm.s32 @!p1 $0x1082;
	[sflag:s4] =	ssyncset.s32 $0xFFFFF086  }
0x25: {  	[simem:s6], [sflag:s4] =	dma.local [hbm:s3], $0xF7A  }
0x26: {  	[smem:$0x3F9D] =	sst s1;
	(tag) =	ssettag s2;
	_ =	strace s9  }
0x27: {  	s1 =	sld [smem:$0x3FAD]  }
0x28: {  	s2 =	sld [smem:$0x3FAE]  }
0x29: {  	s4 =	sld [smem:$0x3FB0]  }
0x2a: {  	p0 =	seq.s32 s5, $0x0;
	s5 =	sld [smem:$0x3FB1]  }
0x2b: {  	s6 =	sld [smem:$0x3FB2]  }
0x2c: {  	s7 =	sld [smem:$0x3FB3]  }
0x2d: {  	s3 =	simm.s32 $0x108;
	s8 =	sld [smem:$0x3FB4]  }
0x2e: {  	s3 =	simm.s32 @!p0 $0x1082;
	s9 =	sld [smem:$0x3FB5]  }
0x2f: {  	lr =	sadd.s32 s0, s3;
	s0 =	sld [smem:$0x3FAC]  }
0x30: {  	s3 =	sld [smem:$0x3FAF]  }
0x31: {  	[smem:$0x3FB8] =	sst s10  }
0x32: {  	s10 =	sld [smem:$0x3FB6];
	_ =	sdelay $0x3  }
0x33: {  	p0 =	seq.s32 s10, $0x1;
	s10 =	sld [smem:$0x3FB8];
	_ =	sdelay $0x3  }
0x34: {  	[smem:$0x3FB8] =	sst s10  }
0x35: {  	s10 =	sld [smem:$0x3FB7];
	_ =	sdelay $0x3  }
0x36: {  	p1 =	seq.s32 s10, $0x1;
	s10 =	sld [smem:$0x3FB8];
	_ =	sdelay $0x3  }
0x37: {  	[smem:$0x3FB8] =	sst s10  }
0x38: {  	s10 =	sld [smem:$0x3FB9]  }
0x39: {  	_ = 	snop;
	(pc) =	sbr.ind lr, $3  }
0x3a: {  	_ = 	snop  }
0x3b: {  	_ = 	snop  }
0x3c: {  	p2 =	seq.s32 s10, $0x1;
	s10 =	sld [smem:$0x3FB8]  }
0x3d: {  	_ =	shalt  }
0x3e: {  	_ =	shalt  }
0x3f: {  	_ =	shalt  }
0x40: {  	_ =	shalt  }
0x41: {  	_ =	shalt  }
0x42: {  	_ =	shalt  }
0x43: {  	_ =	shalt  }
0x44: {  	_ =	shalt  }
0x45: {  	_ =	shalt  }
0x46: {  	_ =	shalt  }
0x47: {  	_ =	shalt  }
0x48: {  	_ =	shalt  }
0x49: {  	_ =	shalt  }
0x4a: {  	_ =	shalt  }
0x4b: {  	_ =	shalt  }
0x4c: {  	_ =	shalt  }
0x4d: {  	_ =	shalt  }
0x4e: {  	_ =	shalt  }
0x4f: {  	_ =	shalt  }
0x50: {  	_ =	shalt  }
0x51: {  	_ =	shalt  }
0x52: {  	_ =	shalt  }
0x53: {  	_ =	shalt  }
0x54: {  	_ =	shalt  }
0x55: {  	_ =	shalt  }
0x56: {  	_ =	shalt  }
0x57: {  	_ =	shalt  }
0x58: {  	_ =	shalt  }
0x59: {  	_ =	shalt  }
0x5a: {  	_ =	shalt  }
0x5b: {  	_ =	shalt  }
0x5c: {  	_ =	shalt  }
0x5d: {  	_ =	shalt  }
0x5e: {  	_ =	shalt  }
0x5f: {  	_ =	shalt  }
0x60: {  	_ =	shalt  }
0x61: {  	_ =	shalt  }
0x62: {  	_ =	shalt  }
0x63: {  	_ =	shalt  }
0x64: {  	_ =	shalt  }
0x65: {  	_ =	shalt  }
0x66: {  	_ =	shalt  }
0x67: {  	_ =	shalt  }
0x68: {  	_ =	shalt  }
0x69: {  	_ =	shalt  }
0x6a: {  	_ =	shalt  }
0x6b: {  	_ =	shalt  }
0x6c: {  	_ =	shalt  }
0x6d: {  	_ =	shalt  }
0x6e: {  	_ =	shalt  }
0x6f: {  	_ =	shalt  }
0x70: {  	_ =	shalt  }
0x71: {  	_ =	shalt  }
0x72: {  	_ =	shalt  }
0x73: {  	_ =	shalt  }
0x74: {  	_ =	shalt  }
0x75: {  	_ =	shalt  }
0x76: {  	_ =	shalt  }
0x77: {  	_ =	shalt  }
0x78: {  	_ =	shalt  }
0x79: {  	_ =	shalt  }
0x7a: {  	_ =	shalt  }
0x7b: {  	_ =	shalt  }
0x7c: {  	_ =	shalt  }
0x7d: {  	_ =	shalt  }
0x7e: {  	_ =	shalt  }
0x7f: {  	_ =	shalt  }
0x80: {  	_ =	shalt  }
0x81: {  	_ =	shalt  }
0x82: {  	_ =	shalt  }
0x83: {  	_ =	shalt  }
0x84: {  	_ =	shalt  }
0x85: {  	_ =	shalt  }
0x86: {  	_ =	shalt  }
0x87: {  	_ =	shalt  }
.Lfunc_end0:
.L_simem_size_0:
called_computation_lowered:
.L_overlay_start_0:
0x88: {  	s2 =	sld [smem:$0x3FD9]  }
0x89: {  	s3 =	sld [smem:$0x3FFE];
	_ =	sdelay $0x1  }
0x8a: {  	s1 =	srdreg.scid  }
0x8b: {  	s0 =	sand.u32 $0x1, s1  }
0x8c: {  	s17 =	sshll.u32 s0, $0xA;
	s2 =	sadd.s32 s3, s2  }
0x8d: {  	s2 =	sadd.s32 s2, s17  }
0x8e: {  	[smem:$0x3FC4] =	sst s2  }
0x8f: {  	_ = 	snop  }
0x90: {  	s2 =	sld [smem:$0x3FC7];
	(tm) =	ssettm $0x1  }
0x91: {  	s18 =	sld [smem:$0x3FFB];
	_ =	sdelay $0x3  }
0x92: {  	_ =	strace s18  }
0x93: {  	s3 =	sld [smem:$0x3FFC];
	_ =	sdelay $0x3  }
0x94: {  	_ =	strace s3  }
0x95: {  	s3 =	sld [smem:$0x3FFD];
	_ =	sdelay $0x3  }
0x96: {  	_ =	strace s3  }
0x97: {  	_ =	strace $0x8FFFFFFF  }
0x98: {  	s19 =	sld [smem:$0x3FDB];
	_ =	sdelay $0x1  }
0x99: {  	s4 =	simm.s32 $_scs_section_size  }
0x9a: {  	s5 =	simm.s32 $_size__tile_overlayer_lowered;
	s6 =	simm.s32 $_tile_overlayer_lowered  }
0x9b: {  	s22 =	simm.s32 $0x1BFF;
	s21 =	sshll.u32 s6, $0x1;
	s3 =	sadd.s32 s4, s19  }
0x9c: {  	s7 =	simm.s32 $0x0;
	s20 =	sshll.u32 s5, $0x1;
	s5 =	sadd.s32 s21, s3  }
0x9d: {  	[timem:s7], [sflag:s22] =	dma.local [hbm:s5], s20  }
0x9e: {  	_ =	swait.ge [sflag:s22], s20  }
0x9f: {  	s4 =	ssub.s32 $0x0, s20;
	[sflag:s22] =	ssyncset.done $0x0  }
0xa0: {  	[sflag:s22] =	ssyncadd.s32 s4;
	_ =	sdelay $0x1  }
0xa1: {  	s23 =	simm.s32 $0x1B8B  }
0xa2: {  	_ =	swait.ge [sflag:s23], $0x1  }
0xa3: {  	[sflag:s23] =	ssyncset.done $0x0  }
0xa4: {  	s25 =	simm.s32 $0x1B8E;
	s24 =	sld [smem:$0x3FFE];
	[sflag:s23] =	ssyncadd.s32 $0xFFFFFFFF  }
0xa5: {  	s26 =	simm.s32 $execute0_lowered;
	[smem:$0x3FD2] =	sst s25  }
0xa6: {  	s5 =	sshll.u32 s26, $0x1;
	_ =	strace $0x80000046;
	[dreg:$0x1] =	wrdreg $0xFFFFFFFF  }
0xa7: {  	s28 =	simm.s32 $_size_execute0_lowered;
	s3 =	sadd.s32 s3, s5;
	[dreg:$0x0] =	wrdreg $0x0  }
0xa8: {  	s5 =	sshll.u32 s28, $0x1;
	[dreg:$0x2] =	wrdreg s3  }
0xa9: {  	[dreg:$0x3] =	wrdreg s5  }
0xaa: {  	[dreg:$0x4] =	wrdreg $0xC0  }
0xab: {  	_ =	task [dreg:s7], $0x5FFFF  }
0xac: {  	[dreg:$0x1] =	wrdreg $0xFFFFFFFF  }
0xad: {  	[dreg:$0x0] =	wrdreg $0x60  }
0xae: {  	[dreg:$0x2] =	wrdreg s24  }
0xaf: {  	[dreg:$0x3] =	wrdreg s2  }
0xb0: {  	[dreg:$0x4] =	wrdreg $0x9  }
0xb1: {  	_ =	task.clear_ibuf [dreg:s7], $0x5FFFF;
	_ =	strace $0x90000046  }
0xb2: {  	s29 =	simm.s32 $0x9;
	_ =	strace $0x80000048  }
0xb3: {  	_ =	swait.ge [sflag:s29], $0x1  }
0xb4: {  	[sflag:s29] =	ssyncadd.s32 $0xFFFFFFFF  }
0xb5: {  	_ =	strace $0x90000048  }
0xb6: {  	_ =	sfence  }
0xb7: {  	s30 =	sld [smem:$0x0];
	_ =	sdelay $0x2  }
0xb8: {  	s31 =	sshll.u32 s1, $0xD;
	s1 =	sshrl.u32 s1, $0x2  }
0xb9: {  	s3 =	sand.u32 $0x4000, s31;
	s1 =	sadd.s32 s1, s30  }
0xba: {  	s0 =	sor.u32 s3, s0;
	s1 =	sshll.u32 s1, $0x11  }
0xbb: {  	s0 =	sor.u32 s1, s0  }
0xbc: {  	s0 =	sadd.s32 $0x8F2B, s0  }
0xbd: {  	[sflag:s0] =	ssyncadd.remote.s32 $0x1  }
0xbe: {  	_ =	sfence.sel $0xFFFF  }
0xbf: {  	[dreg:$0x0] =	wrdreg $0xFFFFFFFF;
	(pc) =	sbr.abs _section_cstart, $3  }
0xc0: {  	[dreg:$0x1] =	wrdreg $0xFFFFFFFF  }
0xc1: {  	_ =	task.clear_ibuf [dreg:s7], $0x2FFFF;
	_ =	strace $0x9FFFFFFF  }
0xc2: {  	(tm) =	ssettm $0x7FFFFFFF  }
0xc3: {  	_ =	shalt  }
tec
execute0_lowered:
.L_overlay_start_1:
0x0: {  	(tag) =	ssettag $0x1  }
0x1: {  	s11 =	rddreg [dreg:$0x0]  }
0x2: {  	s1 =	srdreg.scid;
	s0 =	stileid.u32  }
0x3: {  	s3 =	rddreg [dreg:$0x1];
	s9 =	sand.u32 $0x1, s1;
	s4 =	sshll.u32 s0, $0x1  }
0x4: {  	s2 =	simm.s32 $0x0;
	s1 =	rddreg [dreg:$0x2];
	s5 =	sor.u32 s9, s4  }
0x5: {  	[smem:$0x7FF] =	sst s2;
	s12 =	sshll.u32 s5, $0x4  }
0x6: {  	_ =	strace $0x80000047;
	s4 =	sadd.s32 s3, s12;
	s3 =	simm.s32 $0x2  }
0x7: {  	[tilespmem:s2], [sflag:$0x2] =	stream.linear.gather [hbm4b:s4+s2], $0x80, $0x38;
	[tilespmem:$0x200] =	vst v63  }
0x8: {  	_ =	swait.ge [sflag:s3], $0x80  }
0x9: {  	s5 =	sshll.u32 s5, $0x7;
	[sflag:s3] =	ssyncset.done $0x0  }
0xa: {  	v0 =	vmov s5;
	[sflag:s3] =	ssyncadd.s32 $0xFFFFFF80  }
0xb: {  	v1 =	vlaneseq.u32;
	v0 =	vmul.u32 $0x3E8, v0;
	v2 =	vld [tilespmem:$0x70]  }
0xc: {  	v7 =	vmul.u32 $0x3E8, v1;
	v3 =	vld [tilespmem:$0x60]  }
0xd: {  	v8 =	vbroadcast v0, $0x0;
	v58 =	vld [tilespmem:$0x0]  }
0xe: {  	v1 =	vadd.s32 $0x17700, v7;
	v9 =	vadd.s32 $0x13880, v7;
	v0 =	vadd.s32 $0x1B580, v7;
	v4 =	vld [tilespmem:$0x50]  }
0xf: {  	v12 =	vadd.s32 $0xFA00, v7;
	v57 =	vadd.s32 $0xBB80, v7;
	v5 =	vld [tilespmem:$0x40];
	v0 =	vadd.s32 v0, v8  }
0x10: {  	v59 =	vadd.s32 $0x7D00, v7;
	v6 =	vld [tilespmem:$0x30];
	v1 =	vadd.s32 v1, v8;
	v11 =	vadd.s32 v2, v0  }
0x11: {  	v61 =	vadd.s32 $0x3E80, v7;
	v10 =	vld [tilespmem:$0x20];
	v7 =	vadd.s32 v7, v8;
	v13 =	vadd.s32 v3, v1;
	[tilespmem:$0xF0] =	vst v11  }
0x12: {  	v56 =	vld [tilespmem:$0x10];
	v2 =	vadd.s32 v9, v8;
	v63 =	vadd.s32 v58, v7;
	[tilespmem:$0xE0] =	vst v13  }
0x13: {  	v3 =	vadd.s32 v12, v8;
	v14 =	vadd.s32 v4, v2;
	[tilespmem:$0x80] =	vst v63  }
0x14: {  	v4 =	vadd.s32 v57, v8;
	v60 =	vadd.s32 v5, v3;
	[tilespmem:$0xD0] =	vst v14  }
0x15: {  	v5 =	vadd.s32 v59, v8;
	v62 =	vadd.s32 v6, v4;
	[tilespmem:$0xC0] =	vst v60  }
0x16: {  	s9 =	ssub.s32 $0x2, s9;
	v6 =	vadd.s32 v61, v8;
	v10 =	vadd.s32 v10, v5;
	[tilespmem:$0xB0] =	vst v62  }
0x17: {  	s7 =	simm.s32 $0x80;
	s6 =	simm.s32 $0x100;
	s13 =	sshrl.u32 s9, $0x1;
	v8 =	vadd.s32 v56, v6;
	[tilespmem:$0xA0] =	vst v10  }
0x18: {  	s8 =	simm.s32 $0x1;
	s5 =	sadd.s32 $0x101E00, s11;
	s13 =	ssub.s32 s9, s13;
	[tilespmem:$0x90] =	vst v8  }
0x19: {  	[tilespmem:s6], [sflag:$0x1] =	stream.indirect.gather [hbm4b:s5+s7], $0x1, s7, s7, $0xb8;
	[tilespmem:$0x200] =	vst v63  }
0x1a: {  	s13 =	smax.u32 s13, $0x1;
	_ =	swait.ge [sflag:s8], $0x80  }
0x1b: {  	s10 =	sadd.s32 $0x17EE00, s11;
	p0 =	sne.s32 s13, $0x1;
	[sflag:s8] =	ssyncset.done $0x0  }
.Ltmp0:
0x1c: {  	s9 =	simm.s32 $0x180;
	[sflag:s8] =	ssyncadd.s32 $0xFFFFFF80;
	(pc) =	sbr.rel @!p0 .LBB2_2-.Ltmp0, $4  }
0x1d: {  	[tilespmem:s9], [sflag:$0x1] =	stream.indirect.gather [hbm4b:s10+s7], $0x1, s7, s7, $0xb8;
	[tilespmem:$0x200] =	vst v63  }
0x1e: {  	s11 =	sadd.s32 s12, s11;
	_ =	swait.ge [sflag:s8], $0x80  }
0x1f: {  	s12 =	sadd.s32 $0x1FBE00, s11;
	[sflag:s8] =	ssyncset.done $0x0  }
0x20: {  	s11 =	sadd.s32 $0x1FC000, s11;
	s13 =	sadd.s32 $0xFFFFFFFF, s13;
	[sflag:s8] =	ssyncadd.s32 $0xFFFFFF80  }
.LBB2_1:
0x21: {  	[hbm4b:s12+s2] =	stream.linear.scatter [tilespmem:s6], [sflag:$0x2], $0x80, $0x38;
	[tilespmem:$0x200] =	vst v63  }
0x22: {  	p0 =	sne.s32 s13, $0x1;
	s13 =	sadd.s32 $0xFFFFFFFF, s13;
	_ =	swait.ge [sflag:s3], $0x80  }
0x23: {  	[sflag:s3] =	ssyncset.done $0x0  }
0x24: {  	[sflag:s3] =	ssyncadd.s32 $0xFFFFFF80  }
0x25: {  	[hbm4b:s11+s2] =	stream.linear.scatter [tilespmem:s9], [sflag:$0x2], $0x80, $0x38;
	[tilespmem:$0x200] =	vst v63  }
0x26: {  	_ =	swait.ge [sflag:s3], $0x80  }
0x27: {  	[sflag:s3] =	ssyncset.done $0x0  }
0x28: {  	[sflag:s3] =	ssyncadd.s32 $0xFFFFFF80  }
0x29: {  	[tilespmem:s2], [sflag:$0x2] =	stream.linear.gather [hbm4b:s4+s2], $0x80, $0x38;
	[tilespmem:$0x200] =	vst v63  }
0x2a: {  	_ =	swait.ge [sflag:s3], $0x80  }
0x2b: {  	[sflag:s3] =	ssyncset.done $0x0  }
0x2c: {  	[sflag:s3] =	ssyncadd.s32 $0xFFFFFF80  }
0x2d: {  	v8 =	vld [tilespmem:$0x70]  }
0x2e: {  	v9 =	vld [tilespmem:$0x60]  }
0x2f: {  	v10 =	vld [tilespmem:$0x50]  }
0x30: {  	v11 =	vld [tilespmem:$0x40]  }
0x31: {  	v12 =	vld [tilespmem:$0x30]  }
0x32: {  	v13 =	vld [tilespmem:$0x20];
	v8 =	vadd.s32 v8, v0  }
0x33: {  	v14 =	vld [tilespmem:$0x10];
	v9 =	vadd.s32 v9, v1;
	[tilespmem:$0xF0] =	vst v8  }
0x34: {  	v8 =	vld [tilespmem:$0x0];
	v10 =	vadd.s32 v10, v2;
	[tilespmem:$0xE0] =	vst v9  }
0x35: {  	v9 =	vadd.s32 v11, v3;
	[tilespmem:$0xD0] =	vst v10  }
0x36: {  	v10 =	vadd.s32 v12, v4;
	[tilespmem:$0xC0] =	vst v9  }
0x37: {  	v9 =	vadd.s32 v13, v5;
	[tilespmem:$0xB0] =	vst v10  }
0x38: {  	v10 =	vadd.s32 v14, v6;
	[tilespmem:$0xA0] =	vst v9  }
0x39: {  	v8 =	vadd.s32 v8, v7;
	[tilespmem:$0x90] =	vst v10  }
0x3a: {  	[tilespmem:$0x80] =	vst v8  }
0x3b: {  	[tilespmem:s6], [sflag:$0x1] =	stream.indirect.gather [hbm4b:s5+s7], $0x1, s7, s7, $0xb8;
	[tilespmem:$0x200] =	vst v63  }
0x3c: {  	_ =	swait.ge [sflag:s8], $0x80  }
0x3d: {  	[sflag:s8] =	ssyncset.done $0x0  }
.Ltmp1:
0x3e: {  	[sflag:s8] =	ssyncadd.s32 $0xFFFFFF80;
	(pc) =	sbr.rel @p0 .LBB2_1-.Ltmp1, $4  }
0x3f: {  	[tilespmem:s9], [sflag:$0x1] =	stream.indirect.gather [hbm4b:s10+s7], $0x1, s7, s7, $0xb8;
	[tilespmem:$0x200] =	vst v63  }
0x40: {  	_ =	swait.ge [sflag:s8], $0x80  }
0x41: {  	[sflag:s8] =	ssyncset.done $0x0  }
0x42: {  	[sflag:s8] =	ssyncadd.s32 $0xFFFFFF80  }
.LBB2_2:
0x43: {  	[hbm4b:s12+s2] =	stream.linear.scatter [tilespmem:s6], [sflag:$0x2], $0x80, $0x38;
	[tilespmem:$0x200] =	vst v63  }
0x44: {  	_ =	swait.ge [sflag:s3], $0x80  }
0x45: {  	[sflag:s3] =	ssyncset.done $0x0  }
0x46: {  	[sflag:s3] =	ssyncadd.s32 $0xFFFFFF80  }
0x47: {  	[hbm4b:s11+s2] =	stream.linear.scatter [tilespmem:s9], [sflag:$0x2], $0x80, $0x38;
	[tilespmem:$0x200] =	vst v63  }
0x48: {  	_ =	swait.ge [sflag:s3], $0x80  }
0x49: {  	[sflag:s3] =	ssyncset.done $0x0  }
0x4a: {  	[sflag:s3] =	ssyncadd.s32 $0xFFFFFF80  }
0x4b: {  	_ =	sfence.sel $0x180000  }
0x4c: {  	[bflag:$0x0] =	sbarrier.arrive $0xFFFF  }
0x4d: {  	p0 =	sne.s32 s0, $0x0;
	_ =	strace $0x90000047  }
0x4e: {  	s0 =	sadd.s32 @!p0 $0x100000, s1;
	[bflag:$0x2] =	sbarrier.arrive $0xFFFF  }
0x4f: {  	[sflag:s0] =	ssyncadd.tile.s32 @!p0 $0x1;
	_ =	shalt  }
.Lfunc_end2:
_tile_overlayer_lowered:
.L_overlay_start_2:
0x50: {  	(tag) =	ssettag $0x2  }
0x51: {  	s0 =	rddreg [dreg:$0x0];
	s2 =	stileid.u32  }
0x52: {  	s1 =	rddreg [dreg:$0x1];
	p0 =	sne.s32 s2, $0x0  }
0x53: {  	s3 =	rddreg [dreg:$0x2];
	[bflag:$0x3] =	sbarrier.arrive $0xFFFF;
	s2 =	simm.s32 @!p0 $0x1C02  }
0x54: {  	[timem:s3], [sflag:s2] =	dma.local @!p0 [hbm:s0], s1  }
0x55: {  	s0 =	simm.s32 @!p0 $0x2  }
0x56: {  	_ =	swait.ge @!p0 [sflag:s0], s1  }
0x57: {  	s1 =	ssub.s32 @!p0 $0x0, s1;
	[sflag:s0] =	ssyncset.done @!p0 $0x0  }
0x58: {  	[sflag:s0] =	ssyncadd.s32 @!p0 s1  }
0x59: {  	[bflag:$0x3] =	sbarrier.arrive $0xFFFF  }
0x5a: {  	_ =	shalt  }

</sc_bundles>
